<compile_context>
chip_gen: v7x
topology: tpu7x:2x2x1
jax: 0.10.2.dev20260603
libtpu: 0.0.44.dev20260713+nightly
codegen_flags: <defaults>
</compile_context>

<pallas_src>
import functools

import jax
import jax.numpy as jnp
from jax import lax
from jax.experimental import pallas as pl
from jax.experimental.pallas import tpu as pltpu
from jax.experimental.pallas import tpu_sc as plsc

_CHUNK = 128
_NBUF = 3
_AHEAD = 2


_REP = 16


def _table_body(b_ref, pi_ref, out_ref):
    b = b_ref[...]
    e = jnp.exp(b - jnp.max(b, axis=1, keepdims=True))
    s = jnp.sum(e, axis=1, keepdims=True)
    pi = pi_ref[...]
    pe = jnp.exp(pi - jnp.max(pi, axis=0, keepdims=True))
    ps = jnp.sum(pe, axis=0, keepdims=True)
    w = (e * (pe / (s * ps))).T
    m_dim = w.shape[0]
    for r in range(_REP):
        out_ref[pl.ds(r * m_dim, m_dim), :] = w


def kernel(x, B, Pi):
    c_dim, m_dim = B.shape
    n_dim = x.shape[0]
    ch = _CHUNK
    n_chunks = -(-n_dim // ch)

    wt = pl.pallas_call(
        _table_body,
        out_shape=jax.ShapeDtypeStruct((_REP * m_dim, c_dim), jnp.float32),
    )(B, Pi.reshape(c_dim, 1))

    mesh = plsc.VectorSubcoreMesh(core_axis_name="c", subcore_axis_name="s")
    nw = mesh.num_cores * mesh.num_subcores
    n_iters = -(-n_chunks // nw)
    nbuf = _NBUF
    ahead = _AHEAD
    n_outer = -(-n_iters // nbuf)
    assert n_iters >= nbuf

    @functools.partial(
        pl.kernel,
        out_type=jax.ShapeDtypeStruct((n_dim, c_dim), jnp.float32),
        mesh=mesh,
        scratch_types=[
            [pltpu.VMEM((ch,), jnp.int32)] * nbuf,
            [pltpu.VMEM((ch, c_dim), jnp.float32)] * nbuf,
            [pltpu.SemaphoreType.DMA] * nbuf,
            [pltpu.SemaphoreType.DMA] * nbuf,
            [pltpu.SemaphoreType.DMA] * nbuf,
        ],
    )
    def _gather(wt_hbm, x_hbm, out_hbm, idx, rows, isem, gsem, osem):
        cid = lax.axis_index("c")
        sid = lax.axis_index("s")
        wid = sid * mesh.num_cores + cid

        def adjust(b):
            lane = lax.iota(jnp.int32, 16)
            for i in range(ch // 16):
                rep = ((lane + 16 * i) & (_REP - 1)) * m_dim
                v = idx[b][pl.ds(16 * i, 16)]
                idx[b][pl.ds(16 * i, 16)] = v + rep

        def active(c):
            return (wid + c * nw) < n_chunks

        def off_of(c):
            return jnp.minimum((wid + c * nw) * ch, n_dim - ch)


        def body(jq, carry):
            for b in range(nbuf):
                j = nbuf * jq + b

                @pl.when(active(j))
                def _(b=b, j=j):
                    off = off_of(j)
                    pltpu.async_copy(
                        rows[b], out_hbm.at[pl.ds(off, ch)], osem[b])


                b3 = (b + ahead) % nbuf
                c3 = j + ahead

                @pl.when(active(c3))
                def _(b3=b3, b=b, jq=jq):
                    def wait_prev_store():
                        pltpu.make_async_copy(
                            rows[b3], out_hbm.at[pl.ds(0, ch)], osem[b3]
                        ).wait()

                    if b + ahead >= nbuf:
                        wait_prev_store()
                    else:
                        pl.when(jq >= 1)(wait_prev_store)

            return carry

        lax.fori_loop(0, n_outer, body, 0)

        for b in range(nbuf):
            pltpu.make_async_copy(
                rows[b], out_hbm.at[pl.ds(0, ch)], osem[b]).wait()

    return _gather(wt, x)

# --- scband reference (transcript-rebuilt; emitter-appended) ---
"""Pipeline reference for scband-cgmmlayer-0-40106404610085 (READ-ONLY COPY).

The authoritative reference and input builder live on the scoring server;
editing this copy changes nothing except your own understanding.
"""

import jax, jax.numpy as jnp
import numpy as np

C = 256
M = 512
N = 100000

def setup_inputs(seed: int = 0) -> dict:
    key = jax.random.key(seed)
    k1, k2, k3 = jax.random.split(key, 3)
    x = jax.random.randint(k1, (N,), 0, M, dtype=jnp.int64 if jax.config.jax_enable_x64 else jnp.int32)
    B = jax.random.normal(k2, (C, M), dtype=jnp.float32)
    Pi = jax.random.normal(k3, (C,), dtype=jnp.float32)
    return {"x": x, "B": B, "Pi": Pi}

def reference(x, B, Pi):
    # softmax reparameterization of the emission matrix B (over labels, dim=1)
    # and the prior Pi (over hidden states, dim=0)
    sm_B = jax.nn.softmax(B, axis=1)   # (C, M)
    sm_Pi = jax.nn.softmax(Pi, axis=0) # (C,)
    # embedding-style gather of label columns: sm_B[:, x] -> (C, N); transpose -> (N, C)
    gathered = jnp.take(sm_B, x, axis=1).T  # (N, C)
    out = sm_Pi[None, :] * gathered         # (N, C)
    return out

if __name__ == "__main__":
    import jax
    _d = setup_inputs()
    print(jax.jit(kernel)(*tuple(_d.values())))

</pallas_src>

<mosaic_0001>
#map = affine_map<(d0, d1) -> (0, 0)>
#map1 = affine_map<(d0, d1) -> (0)>
module attributes {stable_mosaic.version = 14 : i64} {
  func.func @_gather(%arg0: i32, %arg1: i32, %arg2: memref<8192x256xf32, #tpu.memory_space<hbm>>, %arg3: memref<100000xi32, #tpu.memory_space<hbm>>, %arg4: memref<100000x256xf32, #tpu.memory_space<hbm>>, %arg5: memref<128xi32, #tpu.memory_space<vmem>>, %arg6: memref<128xi32, #tpu.memory_space<vmem>>, %arg7: memref<128xi32, #tpu.memory_space<vmem>>, %arg8: memref<128x256xf32, #tpu.memory_space<vmem>>, %arg9: memref<128x256xf32, #tpu.memory_space<vmem>>, %arg10: memref<128x256xf32, #tpu.memory_space<vmem>>, %arg11: memref<!tpu.dma_semaphore, #tpu.memory_space<semaphore_mem>>, %arg12: memref<!tpu.dma_semaphore, #tpu.memory_space<semaphore_mem>>, %arg13: memref<!tpu.dma_semaphore, #tpu.memory_space<semaphore_mem>>, %arg14: memref<!tpu.dma_semaphore, #tpu.memory_space<semaphore_mem>>, %arg15: memref<!tpu.dma_semaphore, #tpu.memory_space<semaphore_mem>>, %arg16: memref<!tpu.dma_semaphore, #tpu.memory_space<semaphore_mem>>, %arg17: memref<!tpu.dma_semaphore, #tpu.memory_space<semaphore_mem>>, %arg18: memref<!tpu.dma_semaphore, #tpu.memory_space<semaphore_mem>>, %arg19: memref<!tpu.dma_semaphore, #tpu.memory_space<semaphore_mem>>) attributes {dimension_semantics = [#tpu.dimension_semantics<core_parallel>, #tpu.dimension_semantics<subcore_parallel>], iteration_bounds = array<i64: 2, 16>, scalar_prefetch = 0 : i64, scratch_operands = 15 : i64, tpu.core_type = #tpu.core_type<sc_vector_subcore>, window_params = [{transform_indices = #map}, {transform_indices = #map1}, {transform_indices = #map}]} {
    %mul3A = arith.constant 2 : i32
    %mul3A_0 = arith.muli %arg1, %mul3A : i32
    %add3A = arith.addi %mul3A_0, %arg0 : i32
    %scan3A = arith.constant 0 : i32
    %scan3A_1 = arith.constant 0 : i32
    %scan3A_2 = arith.constant 9 : i32
    %scan3A_3 = arith.addi %scan3A_1, %scan3A_2 : i32
    %scan3A_4 = arith.constant 1 : i32
    scf.for %scan3A_23 = %scan3A_1 to %scan3A_3 step %scan3A_4  : i32 {
      %mul3A_24 = arith.constant 3 : i32
      %mul3A_25 = arith.muli %mul3A_24, %scan3A_23 : i32
      %add3A_26 = arith.constant 0 : i32
      %add3A_27 = arith.addi %mul3A_25, %add3A_26 : i32
      %mul3A_28 = arith.constant 32 : i32
      %mul3A_29 = arith.muli %add3A_27, %mul3A_28 : i32
      %add3A_30 = arith.addi %add3A, %mul3A_29 : i32
      %lt3A = arith.constant 782 : i32
      %lt3A_31 = arith.cmpi slt, %add3A_30, %lt3A : i32
      %convert_element_type3A = arith.extui %lt3A_31 : i1 to i32
      %cond3A = arith.constant 0 : i32
      %cond3A_32 = arith.cmpi ne, %convert_element_type3A, %cond3A : i32
      scf.if %cond3A_32 {
        %mul3A_87 = arith.constant 32 : i32
        %mul3A_88 = arith.muli %add3A_27, %mul3A_87 : i32
        %add3A_89 = arith.addi %add3A, %mul3A_88 : i32
        %mul3A_90 = arith.constant 128 : i32
        %mul3A_91 = arith.muli %add3A_89, %mul3A_90 : i32
        %min3A = arith.constant 99872 : i32
        %min3A_92 = arith.minsi %mul3A_91, %min3A : i32
        %dma_start3A = arith.constant 0 : i32
        %dma_start3A_93 = tpu.memref_slice %arg4[%min3A_92, %dma_start3A] : memref<100000x256xf32, #tpu.memory_space<hbm>> -> memref<128x256xf32, #tpu.memory_space<hbm>>
        %dma_start3A_94 = arith.constant 0 : i32
        %dma_start3A_95 = tpu.memref_slice %arg4[%min3A_92, %dma_start3A_94] : memref<100000x256xf32, #tpu.memory_space<hbm>> -> memref<128x256xf32, #tpu.memory_space<hbm>>
        tpu.enqueue_dma source(%arg8 : memref<128x256xf32, #tpu.memory_space<vmem>>) target(%dma_start3A_95 : memref<128x256xf32, #tpu.memory_space<hbm>>) target_semaphore(%arg17 : memref<!tpu.dma_semaphore, #tpu.memory_space<semaphore_mem>>)
      } else {
      }
      %add3A_33 = arith.constant 2 : i32
      %add3A_34 = arith.addi %add3A_27, %add3A_33 : i32
      %mul3A_35 = arith.constant 32 : i32
      %mul3A_36 = arith.muli %add3A_34, %mul3A_35 : i32
      %add3A_37 = arith.addi %add3A, %mul3A_36 : i32
      %lt3A_38 = arith.constant 782 : i32
      %lt3A_39 = arith.cmpi slt, %add3A_37, %lt3A_38 : i32
      %convert_element_type3A_40 = arith.extui %lt3A_39 : i1 to i32
      %cond3A_41 = arith.constant 0 : i32
      %cond3A_42 = arith.cmpi ne, %convert_element_type3A_40, %cond3A_41 : i32
      scf.if %cond3A_42 {
        %ge3A = arith.constant 1 : i32
        %ge3A_87 = arith.cmpi sge, %scan3A_23, %ge3A : i32
        %convert_element_type3A_88 = arith.extui %ge3A_87 : i1 to i32
        %cond3A_89 = arith.constant 0 : i32
        %cond3A_90 = arith.cmpi ne, %convert_element_type3A_88, %cond3A_89 : i32
        scf.if %cond3A_90 {
          %dma_wait3A_91 = arith.constant 0 : i32
          %dma_wait3A_92 = arith.constant 0 : i32
          %dma_wait3A_93 = tpu.memref_slice %arg4[%dma_wait3A_91, %dma_wait3A_92] : memref<100000x256xf32, #tpu.memory_space<hbm>> -> memref<128x256xf32, #tpu.memory_space<hbm>>
          %dma_wait3A_94 = arith.constant 0 : i32
          %dma_wait3A_95 = arith.constant 0 : i32
          %dma_wait3A_96 = tpu.memref_slice %arg4[%dma_wait3A_94, %dma_wait3A_95] : memref<100000x256xf32, #tpu.memory_space<hbm>> -> memref<128x256xf32, #tpu.memory_space<hbm>>
          tpu.wait_dma2 semaphore(%arg19 : memref<!tpu.dma_semaphore, #tpu.memory_space<semaphore_mem>>) src(%arg10 : memref<128x256xf32, #tpu.memory_space<vmem>>) dst(%dma_wait3A_96 : memref<128x256xf32, #tpu.memory_space<hbm>>)
        } else {
        }
      } else {
      }
      %mul3A_43 = arith.constant 3 : i32
      %mul3A_44 = arith.muli %mul3A_43, %scan3A_23 : i32
      %add3A_45 = arith.constant 1 : i32
      %add3A_46 = arith.addi %mul3A_44, %add3A_45 : i32
      %mul3A_47 = arith.constant 32 : i32
      %mul3A_48 = arith.muli %add3A_46, %mul3A_47 : i32
      %add3A_49 = arith.addi %add3A, %mul3A_48 : i32
      %lt3A_50 = arith.constant 782 : i32
      %lt3A_51 = arith.cmpi slt, %add3A_49, %lt3A_50 : i32
      %convert_element_type3A_52 = arith.extui %lt3A_51 : i1 to i32
      %cond3A_53 = arith.constant 0 : i32
      %cond3A_54 = arith.cmpi ne, %convert_element_type3A_52, %cond3A_53 : i32
      scf.if %cond3A_54 {
        %mul3A_87 = arith.constant 32 : i32
        %mul3A_88 = arith.muli %add3A_46, %mul3A_87 : i32
        %add3A_89 = arith.addi %add3A, %mul3A_88 : i32
        %mul3A_90 = arith.constant 128 : i32
        %mul3A_91 = arith.muli %add3A_89, %mul3A_90 : i32
        %min3A = arith.constant 99872 : i32
        %min3A_92 = arith.minsi %mul3A_91, %min3A : i32
        %dma_start3A = arith.constant 0 : i32
        %dma_start3A_93 = tpu.memref_slice %arg4[%min3A_92, %dma_start3A] : memref<100000x256xf32, #tpu.memory_space<hbm>> -> memref<128x256xf32, #tpu.memory_space<hbm>>
        %dma_start3A_94 = arith.constant 0 : i32
        %dma_start3A_95 = tpu.memref_slice %arg4[%min3A_92, %dma_start3A_94] : memref<100000x256xf32, #tpu.memory_space<hbm>> -> memref<128x256xf32, #tpu.memory_space<hbm>>
        tpu.enqueue_dma source(%arg9 : memref<128x256xf32, #tpu.memory_space<vmem>>) target(%dma_start3A_95 : memref<128x256xf32, #tpu.memory_space<hbm>>) target_semaphore(%arg18 : memref<!tpu.dma_semaphore, #tpu.memory_space<semaphore_mem>>)
      } else {
      }
      %add3A_55 = arith.constant 2 : i32
      %add3A_56 = arith.addi %add3A_46, %add3A_55 : i32
      %mul3A_57 = arith.constant 32 : i32
      %mul3A_58 = arith.muli %add3A_56, %mul3A_57 : i32
      %add3A_59 = arith.addi %add3A, %mul3A_58 : i32
      %lt3A_60 = arith.constant 782 : i32
      %lt3A_61 = arith.cmpi slt, %add3A_59, %lt3A_60 : i32
      %convert_element_type3A_62 = arith.extui %lt3A_61 : i1 to i32
      %cond3A_63 = arith.constant 0 : i32
      %cond3A_64 = arith.cmpi ne, %convert_element_type3A_62, %cond3A_63 : i32
      scf.if %cond3A_64 {
        %dma_wait3A_87 = arith.constant 0 : i32
        %dma_wait3A_88 = arith.constant 0 : i32
        %dma_wait3A_89 = tpu.memref_slice %arg4[%dma_wait3A_87, %dma_wait3A_88] : memref<100000x256xf32, #tpu.memory_space<hbm>> -> memref<128x256xf32, #tpu.memory_space<hbm>>
        %dma_wait3A_90 = arith.constant 0 : i32
        %dma_wait3A_91 = arith.constant 0 : i32
        %dma_wait3A_92 = tpu.memref_slice %arg4[%dma_wait3A_90, %dma_wait3A_91] : memref<100000x256xf32, #tpu.memory_space<hbm>> -> memref<128x256xf32, #tpu.memory_space<hbm>>
        tpu.wait_dma2 semaphore(%arg17 : memref<!tpu.dma_semaphore, #tpu.memory_space<semaphore_mem>>) src(%arg8 : memref<128x256xf32, #tpu.memory_space<vmem>>) dst(%dma_wait3A_92 : memref<128x256xf32, #tpu.memory_space<hbm>>)
      } else {
      }
      %mul3A_65 = arith.constant 3 : i32
      %mul3A_66 = arith.muli %mul3A_65, %scan3A_23 : i32
      %add3A_67 = arith.constant 2 : i32
      %add3A_68 = arith.addi %mul3A_66, %add3A_67 : i32
      %mul3A_69 = arith.constant 32 : i32
      %mul3A_70 = arith.muli %add3A_68, %mul3A_69 : i32
      %add3A_71 = arith.addi %add3A, %mul3A_70 : i32
      %lt3A_72 = arith.constant 782 : i32
      %lt3A_73 = arith.cmpi slt, %add3A_71, %lt3A_72 : i32
      %convert_element_type3A_74 = arith.extui %lt3A_73 : i1 to i32
      %cond3A_75 = arith.constant 0 : i32
      %cond3A_76 = arith.cmpi ne, %convert_element_type3A_74, %cond3A_75 : i32
      scf.if %cond3A_76 {
        %mul3A_87 = arith.constant 32 : i32
        %mul3A_88 = arith.muli %add3A_68, %mul3A_87 : i32
        %add3A_89 = arith.addi %add3A, %mul3A_88 : i32
        %mul3A_90 = arith.constant 128 : i32
        %mul3A_91 = arith.muli %add3A_89, %mul3A_90 : i32
        %min3A = arith.constant 99872 : i32
        %min3A_92 = arith.minsi %mul3A_91, %min3A : i32
        %dma_start3A = arith.constant 0 : i32
        %dma_start3A_93 = tpu.memref_slice %arg4[%min3A_92, %dma_start3A] : memref<100000x256xf32, #tpu.memory_space<hbm>> -> memref<128x256xf32, #tpu.memory_space<hbm>>
        %dma_start3A_94 = arith.constant 0 : i32
        %dma_start3A_95 = tpu.memref_slice %arg4[%min3A_92, %dma_start3A_94] : memref<100000x256xf32, #tpu.memory_space<hbm>> -> memref<128x256xf32, #tpu.memory_space<hbm>>
        tpu.enqueue_dma source(%arg10 : memref<128x256xf32, #tpu.memory_space<vmem>>) target(%dma_start3A_95 : memref<128x256xf32, #tpu.memory_space<hbm>>) target_semaphore(%arg19 : memref<!tpu.dma_semaphore, #tpu.memory_space<semaphore_mem>>)
      } else {
      }
      %add3A_77 = arith.constant 2 : i32
      %add3A_78 = arith.addi %add3A_68, %add3A_77 : i32
      %mul3A_79 = arith.constant 32 : i32
      %mul3A_80 = arith.muli %add3A_78, %mul3A_79 : i32
      %add3A_81 = arith.addi %add3A, %mul3A_80 : i32
      %lt3A_82 = arith.constant 782 : i32
      %lt3A_83 = arith.cmpi slt, %add3A_81, %lt3A_82 : i32
      %convert_element_type3A_84 = arith.extui %lt3A_83 : i1 to i32
      %cond3A_85 = arith.constant 0 : i32
      %cond3A_86 = arith.cmpi ne, %convert_element_type3A_84, %cond3A_85 : i32
      scf.if %cond3A_86 {
        %dma_wait3A_87 = arith.constant 0 : i32
        %dma_wait3A_88 = arith.constant 0 : i32
        %dma_wait3A_89 = tpu.memref_slice %arg4[%dma_wait3A_87, %dma_wait3A_88] : memref<100000x256xf32, #tpu.memory_space<hbm>> -> memref<128x256xf32, #tpu.memory_space<hbm>>
        %dma_wait3A_90 = arith.constant 0 : i32
        %dma_wait3A_91 = arith.constant 0 : i32
        %dma_wait3A_92 = tpu.memref_slice %arg4[%dma_wait3A_90, %dma_wait3A_91] : memref<100000x256xf32, #tpu.memory_space<hbm>> -> memref<128x256xf32, #tpu.memory_space<hbm>>
        tpu.wait_dma2 semaphore(%arg18 : memref<!tpu.dma_semaphore, #tpu.memory_space<semaphore_mem>>) src(%arg9 : memref<128x256xf32, #tpu.memory_space<vmem>>) dst(%dma_wait3A_92 : memref<128x256xf32, #tpu.memory_space<hbm>>)
      } else {
      }
    }
    %scan3A_5 = arith.constant 9 : i32
    %dma_wait3A = arith.constant 0 : i32
    %dma_wait3A_6 = arith.constant 0 : i32
    %dma_wait3A_7 = tpu.memref_slice %arg4[%dma_wait3A, %dma_wait3A_6] : memref<100000x256xf32, #tpu.memory_space<hbm>> -> memref<128x256xf32, #tpu.memory_space<hbm>>
    %dma_wait3A_8 = arith.constant 0 : i32
    %dma_wait3A_9 = arith.constant 0 : i32
    %dma_wait3A_10 = tpu.memref_slice %arg4[%dma_wait3A_8, %dma_wait3A_9] : memref<100000x256xf32, #tpu.memory_space<hbm>> -> memref<128x256xf32, #tpu.memory_space<hbm>>
    tpu.wait_dma2 semaphore(%arg17 : memref<!tpu.dma_semaphore, #tpu.memory_space<semaphore_mem>>) src(%arg8 : memref<128x256xf32, #tpu.memory_space<vmem>>) dst(%dma_wait3A_10 : memref<128x256xf32, #tpu.memory_space<hbm>>)
    %dma_wait3A_11 = arith.constant 0 : i32
    %dma_wait3A_12 = arith.constant 0 : i32
    %dma_wait3A_13 = tpu.memref_slice %arg4[%dma_wait3A_11, %dma_wait3A_12] : memref<100000x256xf32, #tpu.memory_space<hbm>> -> memref<128x256xf32, #tpu.memory_space<hbm>>
    %dma_wait3A_14 = arith.constant 0 : i32
    %dma_wait3A_15 = arith.constant 0 : i32
    %dma_wait3A_16 = tpu.memref_slice %arg4[%dma_wait3A_14, %dma_wait3A_15] : memref<100000x256xf32, #tpu.memory_space<hbm>> -> memref<128x256xf32, #tpu.memory_space<hbm>>
    tpu.wait_dma2 semaphore(%arg18 : memref<!tpu.dma_semaphore, #tpu.memory_space<semaphore_mem>>) src(%arg9 : memref<128x256xf32, #tpu.memory_space<vmem>>) dst(%dma_wait3A_16 : memref<128x256xf32, #tpu.memory_space<hbm>>)
    %dma_wait3A_17 = arith.constant 0 : i32
    %dma_wait3A_18 = arith.constant 0 : i32
    %dma_wait3A_19 = tpu.memref_slice %arg4[%dma_wait3A_17, %dma_wait3A_18] : memref<100000x256xf32, #tpu.memory_space<hbm>> -> memref<128x256xf32, #tpu.memory_space<hbm>>
    %dma_wait3A_20 = arith.constant 0 : i32
    %dma_wait3A_21 = arith.constant 0 : i32
    %dma_wait3A_22 = tpu.memref_slice %arg4[%dma_wait3A_20, %dma_wait3A_21] : memref<100000x256xf32, #tpu.memory_space<hbm>> -> memref<128x256xf32, #tpu.memory_space<hbm>>
    tpu.wait_dma2 semaphore(%arg19 : memref<!tpu.dma_semaphore, #tpu.memory_space<semaphore_mem>>) src(%arg10 : memref<128x256xf32, #tpu.memory_space<vmem>>) dst(%dma_wait3A_22 : memref<128x256xf32, #tpu.memory_space<hbm>>)
    return
  }
}

module attributes {stable_mosaic.version = 14 : i64} {
  func.func @_table_body(%arg0: memref<256x512xf32, #tpu.memory_space<vmem>>, %arg1: memref<256x1xf32, #tpu.memory_space<vmem>>, %arg2: memref<8192x256xf32, #tpu.memory_space<vmem>>) attributes {dimension_semantics = [], scalar_prefetch = 0 : i64, scratch_operands = 0 : i64, tpu.core_type = #tpu.core_type<tc>} {
    %get3A = arith.constant 0 : index
    %get3A_0 = arith.constant 0 : index
    %get3A_1 = vector.load %arg0[%get3A, %get3A_0] : memref<256x512xf32, #tpu.memory_space<vmem>>, vector<256x512xf32>
    %reduce_max3A = arith.constant dense<0xFF800000> : vector<256xf32>
    %reduce_max3A_2 = vector.multi_reduction <maximumf>, %get3A_1, %reduce_max3A [1] : vector<256x512xf32> to vector<256xf32>
    %broadcast_in_dim3A = vector.shape_cast %reduce_max3A_2 : vector<256xf32> to vector<256x1xf32>
    %sub3A = vector.broadcast %broadcast_in_dim3A : vector<256x1xf32> to vector<256x512xf32>
    %sub3A_3 = arith.subf %get3A_1, %sub3A : vector<256x512xf32>
    %exp3A = math.exp %sub3A_3 : vector<256x512xf32>
    %reduce_sum3A = arith.constant dense<0.000000e+00> : vector<256xf32>
    %reduce_sum3A_4 = vector.multi_reduction <add>, %exp3A, %reduce_sum3A [1] : vector<256x512xf32> to vector<256xf32>
    %broadcast_in_dim3A_5 = vector.shape_cast %reduce_sum3A_4 : vector<256xf32> to vector<256x1xf32>
    %get3A_6 = arith.constant 0 : index
    %get3A_7 = arith.constant 0 : index
    %get3A_8 = vector.load %arg1[%get3A_6, %get3A_7] : memref<256x1xf32, #tpu.memory_space<vmem>>, vector<256x1xf32>
    %reduce_max3A_9 = arith.constant dense<0xFF800000> : vector<1xf32>
    %reduce_max3A_10 = vector.multi_reduction <maximumf>, %get3A_8, %reduce_max3A_9 [0] : vector<256x1xf32> to vector<1xf32>
    %broadcast_in_dim3A_11 = vector.shape_cast %reduce_max3A_10 : vector<1xf32> to vector<1x1xf32>
    %sub3A_12 = vector.broadcast %broadcast_in_dim3A_11 : vector<1x1xf32> to vector<256x1xf32>
    %sub3A_13 = arith.subf %get3A_8, %sub3A_12 : vector<256x1xf32>
    %exp3A_14 = math.exp %sub3A_13 : vector<256x1xf32>
    %reduce_sum3A_15 = arith.constant dense<0.000000e+00> : vector<1xf32>
    %reduce_sum3A_16 = vector.multi_reduction <add>, %exp3A_14, %reduce_sum3A_15 [0] : vector<256x1xf32> to vector<1xf32>
    %broadcast_in_dim3A_17 = vector.shape_cast %reduce_sum3A_16 : vector<1xf32> to vector<1x1xf32>
    %mul3A = vector.broadcast %broadcast_in_dim3A_17 : vector<1x1xf32> to vector<256x1xf32>
    %mul3A_18 = arith.mulf %broadcast_in_dim3A_5, %mul3A : vector<256x1xf32>
    %div3A = arith.divf %exp3A_14, %mul3A_18 : vector<256x1xf32>
    %mul3A_19 = vector.broadcast %div3A : vector<256x1xf32> to vector<256x512xf32>
    %mul3A_20 = arith.mulf %exp3A, %mul3A_19 : vector<256x512xf32>
    %transpose3A = tpu.transpose %mul3A_20, [1, 0] : vector<256x512xf32> -> vector<512x256xf32>
    %swap3A = arith.constant 0 : index
    %swap3A_21 = arith.constant 0 : index
    %swap3A_22 = vector.load %arg2[%swap3A, %swap3A_21] : memref<8192x256xf32, #tpu.memory_space<vmem>>, vector<512x256xf32>
    tpu.vector_store %arg2[%swap3A, %swap3A_21], %transpose3A {strides = array<i32>} : memref<8192x256xf32, #tpu.memory_space<vmem>>, vector<512x256xf32>,
    %swap3A_23 = arith.constant 512 : index
    %swap3A_24 = arith.constant 0 : index
    %swap3A_25 = vector.load %arg2[%swap3A_23, %swap3A_24] : memref<8192x256xf32, #tpu.memory_space<vmem>>, vector<512x256xf32>
    tpu.vector_store %arg2[%swap3A_23, %swap3A_24], %transpose3A {strides = array<i32>} : memref<8192x256xf32, #tpu.memory_space<vmem>>, vector<512x256xf32>,
    %swap3A_26 = arith.constant 1024 : index
    %swap3A_27 = arith.constant 0 : index
    %swap3A_28 = vector.load %arg2[%swap3A_26, %swap3A_27] : memref<8192x256xf32, #tpu.memory_space<vmem>>, vector<512x256xf32>
    tpu.vector_store %arg2[%swap3A_26, %swap3A_27], %transpose3A {strides = array<i32>} : memref<8192x256xf32, #tpu.memory_space<vmem>>, vector<512x256xf32>,
    %swap3A_29 = arith.constant 1536 : index
    %swap3A_30 = arith.constant 0 : index
    %swap3A_31 = vector.load %arg2[%swap3A_29, %swap3A_30] : memref<8192x256xf32, #tpu.memory_space<vmem>>, vector<512x256xf32>
    tpu.vector_store %arg2[%swap3A_29, %swap3A_30], %transpose3A {strides = array<i32>} : memref<8192x256xf32, #tpu.memory_space<vmem>>, vector<512x256xf32>,
    %swap3A_32 = arith.constant 2048 : index
    %swap3A_33 = arith.constant 0 : index
    %swap3A_34 = vector.load %arg2[%swap3A_32, %swap3A_33] : memref<8192x256xf32, #tpu.memory_space<vmem>>, vector<512x256xf32>
    tpu.vector_store %arg2[%swap3A_32, %swap3A_33], %transpose3A {strides = array<i32>} : memref<8192x256xf32, #tpu.memory_space<vmem>>, vector<512x256xf32>,
    %swap3A_35 = arith.constant 2560 : index
    %swap3A_36 = arith.constant 0 : index
    %swap3A_37 = vector.load %arg2[%swap3A_35, %swap3A_36] : memref<8192x256xf32, #tpu.memory_space<vmem>>, vector<512x256xf32>
    tpu.vector_store %arg2[%swap3A_35, %swap3A_36], %transpose3A {strides = array<i32>} : memref<8192x256xf32, #tpu.memory_space<vmem>>, vector<512x256xf32>,
    %swap3A_38 = arith.constant 3072 : index
    %swap3A_39 = arith.constant 0 : index
    %swap3A_40 = vector.load %arg2[%swap3A_38, %swap3A_39] : memref<8192x256xf32, #tpu.memory_space<vmem>>, vector<512x256xf32>
    tpu.vector_store %arg2[%swap3A_38, %swap3A_39], %transpose3A {strides = array<i32>} : memref<8192x256xf32, #tpu.memory_space<vmem>>, vector<512x256xf32>,
    %swap3A_41 = arith.constant 3584 : index
    %swap3A_42 = arith.constant 0 : index
    %swap3A_43 = vector.load %arg2[%swap3A_41, %swap3A_42] : memref<8192x256xf32, #tpu.memory_space<vmem>>, vector<512x256xf32>
    tpu.vector_store %arg2[%swap3A_41, %swap3A_42], %transpose3A {strides = array<i32>} : memref<8192x256xf32, #tpu.memory_space<vmem>>, vector<512x256xf32>,
    %swap3A_44 = arith.constant 4096 : index
    %swap3A_45 = arith.constant 0 : index
    %swap3A_46 = vector.load %arg2[%swap3A_44, %swap3A_45] : memref<8192x256xf32, #tpu.memory_space<vmem>>, vector<512x256xf32>
    tpu.vector_store %arg2[%swap3A_44, %swap3A_45], %transpose3A {strides = array<i32>} : memref<8192x256xf32, #tpu.memory_space<vmem>>, vector<512x256xf32>,
    %swap3A_47 = arith.constant 4608 : index
    %swap3A_48 = arith.constant 0 : index
    %swap3A_49 = vector.load %arg2[%swap3A_47, %swap3A_48] : memref<8192x256xf32, #tpu.memory_space<vmem>>, vector<512x256xf32>
    tpu.vector_store %arg2[%swap3A_47, %swap3A_48], %transpose3A {strides = array<i32>} : memref<8192x256xf32, #tpu.memory_space<vmem>>, vector<512x256xf32>,
    %swap3A_50 = arith.constant 5120 : index
    %swap3A_51 = arith.constant 0 : index
    %swap3A_52 = vector.load %arg2[%swap3A_50, %swap3A_51] : memref<8192x256xf32, #tpu.memory_space<vmem>>, vector<512x256xf32>
    tpu.vector_store %arg2[%swap3A_50, %swap3A_51], %transpose3A {strides = array<i32>} : memref<8192x256xf32, #tpu.memory_space<vmem>>, vector<512x256xf32>,
    %swap3A_53 = arith.constant 5632 : index
    %swap3A_54 = arith.constant 0 : index
    %swap3A_55 = vector.load %arg2[%swap3A_53, %swap3A_54] : memref<8192x256xf32, #tpu.memory_space<vmem>>, vector<512x256xf32>
    tpu.vector_store %arg2[%swap3A_53, %swap3A_54], %transpose3A {strides = array<i32>} : memref<8192x256xf32, #tpu.memory_space<vmem>>, vector<512x256xf32>,
    %swap3A_56 = arith.constant 6144 : index
    %swap3A_57 = arith.constant 0 : index
    %swap3A_58 = vector.load %arg2[%swap3A_56, %swap3A_57] : memref<8192x256xf32, #tpu.memory_space<vmem>>, vector<512x256xf32>
    tpu.vector_store %arg2[%swap3A_56, %swap3A_57], %transpose3A {strides = array<i32>} : memref<8192x256xf32, #tpu.memory_space<vmem>>, vector<512x256xf32>,
    %swap3A_59 = arith.constant 6656 : index
    %swap3A_60 = arith.constant 0 : index
    %swap3A_61 = vector.load %arg2[%swap3A_59, %swap3A_60] : memref<8192x256xf32, #tpu.memory_space<vmem>>, vector<512x256xf32>
    tpu.vector_store %arg2[%swap3A_59, %swap3A_60], %transpose3A {strides = array<i32>} : memref<8192x256xf32, #tpu.memory_space<vmem>>, vector<512x256xf32>,
    %swap3A_62 = arith.constant 7168 : index
    %swap3A_63 = arith.constant 0 : index
    %swap3A_64 = vector.load %arg2[%swap3A_62, %swap3A_63] : memref<8192x256xf32, #tpu.memory_space<vmem>>, vector<512x256xf32>
    tpu.vector_store %arg2[%swap3A_62, %swap3A_63], %transpose3A {strides = array<i32>} : memref<8192x256xf32, #tpu.memory_space<vmem>>, vector<512x256xf32>,
    %swap3A_65 = arith.constant 7680 : index
    %swap3A_66 = arith.constant 0 : index
    %swap3A_67 = vector.load %arg2[%swap3A_65, %swap3A_66] : memref<8192x256xf32, #tpu.memory_space<vmem>>, vector<512x256xf32>
    tpu.vector_store %arg2[%swap3A_65, %swap3A_66], %transpose3A {strides = array<i32>} : memref<8192x256xf32, #tpu.memory_space<vmem>>, vector<512x256xf32>,
    return
  }
}

</mosaic_0001>

<sc_bundles>
// kernel: kernel.4.cloned.1.call-start
scs
__scs_entry_jumppad:
0x0: {  	(pc) =	sbr.rel $0x88, $3  }
0x1: {  	(tag) =	ssettag $0x0;
	lr =	simm.s32 $0x1  }
0x2: {  	[smem:$0x3F9E] =	sst lr;
	_ =	strace $0xD0000000  }
0x3: {  	_ = 	snop  }
0x4: {  	_ = 	snop  }
0x5: {  	_ = 	snop  }
0x6: {  	_ = 	snop  }
0x7: {  	_ = 	snop  }
__scs_overlays_trampoline_lowered:
0x8: {  	[smem:$0x3FAD] =	sst s0  }
0x9: {  	[smem:$0x3FAE] =	sst s1  }
0xa: {  	[smem:$0x3FAF] =	sst s2  }
0xb: {  	[smem:$0x3FB0] =	sst s3  }
0xc: {  	[smem:$0x3FB1] =	sst s4  }
0xd: {  	[smem:$0x3FB2] =	sst s5  }
0xe: {  	[smem:$0x3FB3] =	sst s6  }
0xf: {  	[smem:$0x3FB4] =	sst s7  }
0x10: {  	[smem:$0x3FB5] =	sst s8  }
0x11: {  	[smem:$0x3FB6] =	sst s9;
	s0 =	simm.s32 @!p0 $0x0  }
0x12: {  	s1 =	sld [smem:$0x3F9C];
	s0 =	simm.s32 @p0 $0x1  }
0x13: {  	[smem:$0x3FB7] =	sst s0;
	s0 =	simm.s32 @!p1 $0x0  }
0x14: {  	s2 =	sld [smem:$0x3F9B];
	s0 =	simm.s32 @p1 $0x1  }
0x15: {  	[smem:$0x3FB8] =	sst s0;
	s0 =	simm.s32 @!p2 $0x0  }
0x16: {  	s3 =	sld [smem:$0x3FDB];
	s0 =	simm.s32 @p2 $0x1  }
0x17: {  	s4 =	simm.s32 $0x1BF5;
	[smem:$0x3FBA] =	sst s0  }
0x18: {  	s0 =	sld [smem:$0x3F9D];
	_ =	swait.ge [sflag:s4], $0x0  }
0x19: {  	s7 =	sld [smem:$0x3F9E]  }
0x1a: {  	s8 =	sadd.s32 $0xFFFFE003, lr  }
0x1b: {  	s9 =	sadd.s32 $0xFFFFFEF7, lr;
	s5 =	simm.s32 $0xFFFFFFFF;
	p2 =	slt.u32 s8, $0xFFFFF086  }
0x1c: {  	p1 =	slt.u32 s9, $0xF7A;
	s5 =	simm.s32 @!p2 $0x0  }
0x1d: {  	s5 =	simm.s32 @p1 $0x1;
	p0 =	seq.s32 s7, s2  }
0x1e: {  	s7 =	smul.u32 @!p0 $0xF7A, s2;
	p2 =	seq.s32 @!p0 s5, $0x0  }
0x1f: {  	s9 =	smul.u32 $0xF7A, s1;
	s8 =	simm.s32 @!p0 $0x1BF5;
	p2 =	por !p2, p0  }
0x20: {  	[sflag:s8] =	ssyncset.s32 @!p0 $0xFFFFF086;
	s6 =	sadd.s32 @!p0 s3, s7;
	s7 =	simm.s32 @!p0 $0x108  }
0x21: {  	s3 =	sadd.s32 s3, s9;
	s6 =	sadd.s32 @!p0 $0x88, s6;
	s7 =	simm.s32 @p2 $0x1082  }
0x22: {  	[simem:s7], [sflag:s8] =	dma.local @!p0 [hbm:s6], $0xF7A  }
0x23: {  	s9 =	sor.u32 $0xD0000000, s2;
	s6 =	simm.s32 $0x108;
	_ =	swait.ge @!p0 [sflag:s8], $0x0  }
0x24: {  	s3 =	sadd.s32 $0x88, s3;
	s6 =	simm.s32 @!p1 $0x1082;
	[sflag:s4] =	ssyncset.s32 $0xFFFFF086  }
0x25: {  	[simem:s6], [sflag:s4] =	dma.local [hbm:s3], $0xF7A  }
0x26: {  	[smem:$0x3F9E] =	sst s1;
	(tag) =	ssettag s2;
	_ =	strace s9  }
0x27: {  	s1 =	sld [smem:$0x3FAE]  }
0x28: {  	s2 =	sld [smem:$0x3FAF]  }
0x29: {  	s4 =	sld [smem:$0x3FB1]  }
0x2a: {  	p0 =	seq.s32 s5, $0x0;
	s5 =	sld [smem:$0x3FB2]  }
0x2b: {  	s6 =	sld [smem:$0x3FB3]  }
0x2c: {  	s7 =	sld [smem:$0x3FB4]  }
0x2d: {  	s3 =	simm.s32 $0x108;
	s8 =	sld [smem:$0x3FB5]  }
0x2e: {  	s3 =	simm.s32 @!p0 $0x1082;
	s9 =	sld [smem:$0x3FB6]  }
0x2f: {  	lr =	sadd.s32 s0, s3;
	s0 =	sld [smem:$0x3FAD]  }
0x30: {  	s3 =	sld [smem:$0x3FB0]  }
0x31: {  	[smem:$0x3FB9] =	sst s10  }
0x32: {  	s10 =	sld [smem:$0x3FB7];
	_ =	sdelay $0x3  }
0x33: {  	p0 =	seq.s32 s10, $0x1;
	s10 =	sld [smem:$0x3FB9];
	_ =	sdelay $0x3  }
0x34: {  	[smem:$0x3FB9] =	sst s10  }
0x35: {  	s10 =	sld [smem:$0x3FB8];
	_ =	sdelay $0x3  }
0x36: {  	p1 =	seq.s32 s10, $0x1;
	s10 =	sld [smem:$0x3FB9];
	_ =	sdelay $0x3  }
0x37: {  	[smem:$0x3FB9] =	sst s10  }
0x38: {  	s10 =	sld [smem:$0x3FBA]  }
0x39: {  	_ = 	snop;
	(pc) =	sbr.ind lr, $3  }
0x3a: {  	_ = 	snop  }
0x3b: {  	_ = 	snop  }
0x3c: {  	p2 =	seq.s32 s10, $0x1;
	s10 =	sld [smem:$0x3FB9]  }
0x3d: {  	_ =	shalt  }
0x3e: {  	_ =	shalt  }
0x3f: {  	_ =	shalt  }
0x40: {  	_ =	shalt  }
0x41: {  	_ =	shalt  }
0x42: {  	_ =	shalt  }
0x43: {  	_ =	shalt  }
0x44: {  	_ =	shalt  }
0x45: {  	_ =	shalt  }
0x46: {  	_ =	shalt  }
0x47: {  	_ =	shalt  }
0x48: {  	_ =	shalt  }
0x49: {  	_ =	shalt  }
0x4a: {  	_ =	shalt  }
0x4b: {  	_ =	shalt  }
0x4c: {  	_ =	shalt  }
0x4d: {  	_ =	shalt  }
0x4e: {  	_ =	shalt  }
0x4f: {  	_ =	shalt  }
0x50: {  	_ =	shalt  }
0x51: {  	_ =	shalt  }
0x52: {  	_ =	shalt  }
0x53: {  	_ =	shalt  }
0x54: {  	_ =	shalt  }
0x55: {  	_ =	shalt  }
0x56: {  	_ =	shalt  }
0x57: {  	_ =	shalt  }
0x58: {  	_ =	shalt  }
0x59: {  	_ =	shalt  }
0x5a: {  	_ =	shalt  }
0x5b: {  	_ =	shalt  }
0x5c: {  	_ =	shalt  }
0x5d: {  	_ =	shalt  }
0x5e: {  	_ =	shalt  }
0x5f: {  	_ =	shalt  }
0x60: {  	_ =	shalt  }
0x61: {  	_ =	shalt  }
0x62: {  	_ =	shalt  }
0x63: {  	_ =	shalt  }
0x64: {  	_ =	shalt  }
0x65: {  	_ =	shalt  }
0x66: {  	_ =	shalt  }
0x67: {  	_ =	shalt  }
0x68: {  	_ =	shalt  }
0x69: {  	_ =	shalt  }
0x6a: {  	_ =	shalt  }
0x6b: {  	_ =	shalt  }
0x6c: {  	_ =	shalt  }
0x6d: {  	_ =	shalt  }
0x6e: {  	_ =	shalt  }
0x6f: {  	_ =	shalt  }
0x70: {  	_ =	shalt  }
0x71: {  	_ =	shalt  }
0x72: {  	_ =	shalt  }
0x73: {  	_ =	shalt  }
0x74: {  	_ =	shalt  }
0x75: {  	_ =	shalt  }
0x76: {  	_ =	shalt  }
0x77: {  	_ =	shalt  }
0x78: {  	_ =	shalt  }
0x79: {  	_ =	shalt  }
0x7a: {  	_ =	shalt  }
0x7b: {  	_ =	shalt  }
0x7c: {  	_ =	shalt  }
0x7d: {  	_ =	shalt  }
0x7e: {  	_ =	shalt  }
0x7f: {  	_ =	shalt  }
0x80: {  	_ =	shalt  }
0x81: {  	_ =	shalt  }
0x82: {  	_ =	shalt  }
0x83: {  	_ =	shalt  }
0x84: {  	_ =	shalt  }
0x85: {  	_ =	shalt  }
0x86: {  	_ =	shalt  }
0x87: {  	_ =	shalt  }
.Lfunc_end0:
.L_simem_size_0:
called_computation_lowered:
.L_overlay_start_0:
0x88: {  	s2 =	sld [smem:$0x3FD9]  }
0x89: {  	s3 =	sld [smem:$0x3FFE];
	_ =	sdelay $0x1  }
0x8a: {  	s1 =	srdreg.scid  }
0x8b: {  	s0 =	sand.u32 $0x1, s1  }
0x8c: {  	s18 =	sshll.u32 s0, $0xA;
	s2 =	sadd.s32 s3, s2  }
0x8d: {  	s2 =	sadd.s32 s2, s18  }
0x8e: {  	[smem:$0x3FC5] =	sst s2  }
0x8f: {  	_ = 	snop  }
0x90: {  	s2 =	sld [smem:$0x3FD0];
	(tm) =	ssettm $0x1  }
0x91: {  	s19 =	sld [smem:$0x3FFB];
	_ =	sdelay $0x3  }
0x92: {  	_ =	strace s19  }
0x93: {  	s3 =	sld [smem:$0x3FFC];
	_ =	sdelay $0x3  }
0x94: {  	_ =	strace s3  }
0x95: {  	s3 =	sld [smem:$0x3FFD];
	_ =	sdelay $0x3  }
0x96: {  	_ =	strace s3  }
0x97: {  	_ =	strace $0x8FFFFFFF  }
0x98: {  	s20 =	sld [smem:$0x3FDB];
	_ =	sdelay $0x1  }
0x99: {  	s4 =	simm.s32 $_scs_section_size  }
0x9a: {  	s5 =	simm.s32 $_size__tile_overlayer_lowered;
	s6 =	simm.s32 $_tile_overlayer_lowered  }
0x9b: {  	s23 =	simm.s32 $0x1BFF;
	s22 =	sshll.u32 s6, $0x1;
	s3 =	sadd.s32 s4, s20  }
0x9c: {  	s7 =	simm.s32 $0x0;
	s21 =	sshll.u32 s5, $0x1;
	s5 =	sadd.s32 s22, s3  }
0x9d: {  	[timem:s7], [sflag:s23] =	dma.local [hbm:s5], s21  }
0x9e: {  	_ =	swait.ge [sflag:s23], s21  }
0x9f: {  	s4 =	ssub.s32 $0x0, s21;
	[sflag:s23] =	ssyncset.done $0x0  }
0xa0: {  	[sflag:s23] =	ssyncadd.s32 s4;
	_ =	sdelay $0x1  }
0xa1: {  	s24 =	simm.s32 $0x1B8B  }
0xa2: {  	_ =	swait.ge [sflag:s24], $0x1  }
0xa3: {  	[sflag:s24] =	ssyncset.done $0x0  }
0xa4: {  	s25 =	simm.s32 $0x1B8E;
	[sflag:s24] =	ssyncadd.s32 $0xFFFFFFFF  }
0xa5: {  	s26 =	simm.s32 $execute0_lowered;
	[smem:$0x3FD2] =	sst s25  }
0xa6: {  	s4 =	sshll.u32 s26, $0x1;
	_ =	strace $0x80000046;
	[dreg:$0x1] =	wrdreg $0xFFFFFFFF  }
0xa7: {  	s28 =	simm.s32 $_size_execute0_lowered;
	s3 =	sadd.s32 s3, s4;
	[dreg:$0x0] =	wrdreg $0x0  }
0xa8: {  	s4 =	sshll.u32 s28, $0x1;
	[dreg:$0x2] =	wrdreg s3  }
0xa9: {  	[dreg:$0x3] =	wrdreg s4  }
0xaa: {  	[dreg:$0x4] =	wrdreg $0xC0  }
0xab: {  	_ =	task [dreg:s7], $0x5FFFF  }
0xac: {  	[dreg:$0x1] =	wrdreg $0xFFFFFFFF  }
0xad: {  	[dreg:$0x0] =	wrdreg $0x60  }
0xae: {  	[dreg:$0x2] =	wrdreg s2  }
0xaf: {  	[dreg:$0x3] =	wrdreg $0x9  }
0xb0: {  	_ =	task.clear_ibuf [dreg:s7], $0x4FFFF;
	_ =	strace $0x90000046  }
0xb1: {  	s29 =	simm.s32 $0x9;
	_ =	strace $0x80000048  }
0xb2: {  	_ =	swait.ge [sflag:s29], $0x1  }
0xb3: {  	[sflag:s29] =	ssyncadd.s32 $0xFFFFFFFF  }
0xb4: {  	_ =	strace $0x90000048  }
0xb5: {  	_ =	sfence  }
0xb6: {  	s30 =	sld [smem:$0x0];
	_ =	sdelay $0x2  }
0xb7: {  	s31 =	sshll.u32 s1, $0xD;
	s1 =	sshrl.u32 s1, $0x2  }
0xb8: {  	s3 =	sand.u32 $0x4000, s31;
	s1 =	sadd.s32 s1, s30  }
0xb9: {  	s0 =	sor.u32 s3, s0;
	s1 =	sshll.u32 s1, $0x11  }
0xba: {  	s0 =	sor.u32 s1, s0  }
0xbb: {  	s0 =	sadd.s32 $0x8F2B, s0  }
0xbc: {  	[sflag:s0] =	ssyncadd.remote.s32 $0x1  }
0xbd: {  	_ =	sfence.sel $0xFFFF  }
0xbe: {  	[dreg:$0x0] =	wrdreg $0xFFFFFFFF;
	(pc) =	sbr.abs _section_cstart, $3  }
0xbf: {  	[dreg:$0x1] =	wrdreg $0xFFFFFFFF  }
0xc0: {  	_ =	task.clear_ibuf [dreg:s7], $0x2FFFF;
	_ =	strace $0x9FFFFFFF  }
0xc1: {  	(tm) =	ssettm $0x7FFFFFFF  }
tec
execute0_lowered:
.L_overlay_start_1:
0x0: {  	(tag) =	ssettag $0x1  }
0x1: {  	s9 =	rddreg [dreg:$0x0]  }
0x2: {  	s0 =	rddreg [dreg:$0x1];
	s3 =	srdreg.scid  }
0x3: {  	s2 =	simm.s32 $0x0;
	s1 =	stileid.u32;
	s13 =	simm.s32 $0x10000  }
0x4: {  	s14 =	simm.s32 $0x2;
	s15 =	simm.s32 $0x3;
	s10 =	sand.u32 $0x1, s3  }
0x5: {  	[smem:$0x7FF] =	sst s2;
	s4 =	sshll.u32 s1, $0x1;
	s12 =	sshll.u32 s1, $0xD  }
0x6: {  	s3 =	ssub.s32 $0x2, s10;
	_ =	strace $0x80000047;
	s6 =	sor.u32 s10, s4  }
0x7: {  	s12 =	sadd.s32 s12, s9;
	s10 =	sshll.u32 s10, $0xC;
	s5 =	sshrl.u32 s3, $0x1  }
0x8: {  	s31 =	sshll.u32 s6, $0xC;
	s16 =	sor.u32 $0x300, s6;
	s10 =	sadd.s32 s10, s12  }
0x9: {  	s12 =	simm.s32 $0x1;
	s7 =	ssub.s32 s3, s5;
	s3 =	ssub.s32 $0x2AE, s4  }
0xa: {  	s4 =	ssub.s32 $0x28E, s4;
	s5 =	sadd.s32 s9, s31;
	s11 =	sshll.u32 s16, $0x7  }
0xb: {  	p0 =	sgt.u32 s16, $0x30D;
	s16 =	simm.s32 $0x0;
	s11 =	smin.u32 s11, $0x18620  }
0xc: {  	s6 =	smax.u32 s7, $0x1;
	s7 =	sadd.s32 $0x20000, s5;
	s11 =	sshll.u32 s11, $0x5  }
0xd: {  	s8 =	sadd.s32 $0x40000, s5;
	s9 =	sadd.s32 s9, s11;
	s11 =	simm.s32 $0x8000  }
.LBB2_1:
0xe: {  	[hbm4b:s5+s2] =	stream.linear.scatter [tilespmem:s2], [sflag:$0x1], $0x8000, $0x38;
	[tilespmem:$0x18000] =	vst v63  }
0xf: {  	_ = 	snop  }
0x10: {  	[hbm4b:s7+s2] =	stream.linear.scatter [tilespmem:s11], [sflag:$0x2], $0x8000, $0x38;
	[tilespmem:$0x18000] =	vst v63  }
0x11: {  	_ =	swait.ge [sflag:s12], $0x8000  }
0x12: {  	[sflag:s12] =	ssyncset.done $0x0  }
0x13: {  	[sflag:s12] =	ssyncadd.s32 $0xFFFF8000  }
0x14: {  	[hbm4b:s8+s2] =	stream.linear.scatter [tilespmem:s13], [sflag:$0x3], $0x8000, $0x38;
	[tilespmem:$0x18000] =	vst v63  }
0x15: {  	_ =	swait.ge [sflag:s14], $0x8000  }
0x16: {  	s17 =	sadd.s32 $0x0, s10;
	[sflag:s14] =	ssyncset.done $0x0  }
0x17: {  	s18 =	sadd.s32 $0x60000, s17;
	[sflag:s14] =	ssyncadd.s32 $0xFFFF8000  }
0x18: {  	[hbm4b:s18+s2] =	stream.linear.scatter [tilespmem:s2], [sflag:$0x1], $0x8000, $0x38;
	[tilespmem:$0x18000] =	vst v63  }
0x19: {  	_ =	swait.ge [sflag:s15], $0x8000  }
0x1a: {  	p2 =	sle.u32 s3, $0x60;
	[sflag:s15] =	ssyncset.done $0x0  }
0x1b: {  	s31 =	sadd.s32 $0x80000, s17;
	s19 =	simm.s32 @!p2 $0x1;
	[sflag:s15] =	ssyncadd.s32 $0xFFFF8000  }
0x1c: {  	[hbm4b:s31+s2] =	stream.linear.scatter [tilespmem:s11], [sflag:$0x2], $0x8000, $0x38;
	[tilespmem:$0x18000] =	vst v63  }
0x1d: {  	_ =	swait.ge @!p2 [sflag:s19], $0x8000  }
0x1e: {  	p1 =	sle.u32 s4, $0x60;
	s17 =	sadd.s32 $0xA0000, s17;
	[sflag:s19] =	ssyncset.done @!p2 $0x0  }
0x1f: {  	s20 =	simm.s32 @!p1 $0x2;
	s18 =	sadd.s32 $0x60000, s10;
	[sflag:s19] =	ssyncadd.s32 @!p2 $0xFFFF8000  }
0x20: {  	[hbm4b:s17+s2] =	stream.linear.scatter [tilespmem:s13], [sflag:$0x3], $0x8000, $0x38;
	[tilespmem:$0x18000] =	vst v63  }
0x21: {  	s19 =	simm.s32 $0xC0000;
	s17 =	simm.s32 $0xC0;
	_ =	swait.ge @!p1 [sflag:s20], $0x8000  }
.LBB2_2:
0x22: {  	s21 =	sadd.s32 $0x60000, s18  }
0x23: {  	[sflag:s20] =	ssyncset.done @!p1 $0x0;
	s22 =	smov.u32 s19;
	s19 =	sadd.s32 $0x60000, s19  }
0x24: {  	p2 =	sne.s32 s19, $0x2A0000;
	[sflag:s20] =	ssyncadd.s32 @!p1 $0xFFFF8000  }
0x25: {  	[hbm4b:s21+s2] =	stream.linear.scatter [tilespmem:s2], [sflag:$0x1], $0x8000, $0x38;
	[tilespmem:$0x18000] =	vst v63  }
0x26: {  	_ =	swait.ge [sflag:s15], $0x8000  }
0x27: {  	p3 =	sge.u32 s17, s3;
	s20 =	sadd.s32 $0x80000, s18;
	[sflag:s15] =	ssyncset.done $0x0  }
0x28: {  	s21 =	simm.s32 @!p3 $0x1;
	[sflag:s15] =	ssyncadd.s32 $0xFFFF8000  }
0x29: {  	[hbm4b:s20+s2] =	stream.linear.scatter [tilespmem:s11], [sflag:$0x2], $0x8000, $0x38;
	[tilespmem:$0x18000] =	vst v63  }
.Ltmp0:
0x2a: {  	_ =	swait.ge @!p3 [sflag:s21], $0x8000;
	(pc) =	sbr.rel @p2 .LBB2_2-.Ltmp0, $4  }
0x2b: {  	s18 =	sadd.s32 $0xA0000, s18;
	p1 =	sge.u32 s17, s4;
	[sflag:s21] =	ssyncset.done @!p3 $0x0  }
0x2c: {  	s20 =	simm.s32 @!p1 $0x2;
	[sflag:s21] =	ssyncadd.s32 @!p3 $0xFFFF8000  }
0x2d: {  	[hbm4b:s18+s2] =	stream.linear.scatter [tilespmem:s13], [sflag:$0x3], $0x8000, $0x38;
	[tilespmem:$0x18000] =	vst v63  }
0x2e: {  	s17 =	sadd.s32 $0x60, s17;
	s18 =	sadd.s32 s22, s10;
	_ =	swait.ge @!p1 [sflag:s20], $0x8000  }
0x2f: {  	[sflag:s20] =	ssyncset.done @!p1 $0x0  }
0x30: {  	s19 =	sadd.s32 $0x60000, s18;
	[sflag:s20] =	ssyncadd.s32 @!p1 $0xFFFF8000  }
0x31: {  	[hbm4b:s19+s2] =	stream.linear.scatter [tilespmem:s2], [sflag:$0x1], $0x8000, $0x38;
	[tilespmem:$0x18000] =	vst v63  }
0x32: {  	_ =	swait.ge [sflag:s15], $0x8000  }
0x33: {  	p1 =	sge.u32 s17, s3;
	[sflag:s15] =	ssyncset.done $0x0  }
0x34: {  	s29 =	sadd.s32 $0x80000, s18;
	s20 =	simm.s32 @!p1 $0x1;
	[sflag:s15] =	ssyncadd.s32 $0xFFFF8000  }
0x35: {  	[hbm4b:s29+s2] =	stream.linear.scatter [tilespmem:s11], [sflag:$0x2], $0x8000, $0x38;
	[tilespmem:$0x18000] =	vst v63  }
0x36: {  	_ =	swait.ge @!p1 [sflag:s20], $0x8000  }
0x37: {  	p2 =	sge.u32 s17, s4;
	[sflag:s20] =	ssyncset.done @!p1 $0x0  }
0x38: {  	s30 =	sadd.s32 $0xA0000, s18;
	s19 =	simm.s32 @!p2 $0x2;
	[sflag:s20] =	ssyncadd.s32 @!p1 $0xFFFF8000  }
0x39: {  	[hbm4b:s30+s2] =	stream.linear.scatter [tilespmem:s13], [sflag:$0x3], $0x8000, $0x38;
	[tilespmem:$0x18000] =	vst v63  }
0x3a: {  	_ =	swait.ge @!p2 [sflag:s19], $0x8000  }
0x3b: {  	s31 =	sadd.s32 $0x60, s17;
	[sflag:s19] =	ssyncset.done @!p2 $0x0  }
0x3c: {  	s18 =	simm.s32 @!p0 $0x0;
	p1 =	sge.u32 s31, s3;
	[sflag:s19] =	ssyncadd.s32 @!p2 $0xFFFF8000  }
0x3d: {  	[hbm4b:s9+s18] =	stream.linear.scatter @!p0 [tilespmem:s18], [sflag:$0x1], $0x8000, $0x38;
	[tilespmem:$0x18000] =	vst v63  }
0x3e: {  	s18 =	simm.s32 @!p1 $0x1  }
0x3f: {  	_ =	swait.ge @!p1 [sflag:s18], $0x8000  }
0x40: {  	p2 =	sge.u32 s31, s4;
	[sflag:s18] =	ssyncset.done @!p1 $0x0  }
0x41: {  	s17 =	simm.s32 @!p2 $0x2;
	[sflag:s18] =	ssyncadd.s32 @!p1 $0xFFFF8000  }
0x42: {  	_ =	swait.ge @!p2 [sflag:s17], $0x8000  }
0x43: {  	[sflag:s17] =	ssyncset.done @!p2 $0x0  }
0x44: {  	[sflag:s17] =	ssyncadd.s32 @!p2 $0xFFFF8000  }
0x45: {  	_ =	swait.ge [sflag:s12], $0x8000  }
0x46: {  	[sflag:s12] =	ssyncset.done $0x0  }
0x47: {  	s16 =	sadd.s32 $0x1, s16;
	[sflag:s12] =	ssyncadd.s32 $0xFFFF8000  }
0x48: {  	p1 =	sne.s32 s16, s6;
	_ =	swait.ge [sflag:s14], $0x8000  }
.Ltmp1:
0x49: {  	[sflag:s14] =	ssyncset.done $0x0;
	(pc) =	sbr.rel @p1 .LBB2_1-.Ltmp1, $4  }
0x4a: {  	[sflag:s14] =	ssyncadd.s32 $0xFFFF8000  }
0x4b: {  	_ =	swait.ge [sflag:s15], $0x8000  }
0x4c: {  	[sflag:s15] =	ssyncset.done $0x0  }
0x4d: {  	[sflag:s15] =	ssyncadd.s32 $0xFFFF8000  }
0x4e: {  	_ =	sfence.sel $0x180000  }
0x4f: {  	[bflag:$0x0] =	sbarrier.arrive $0xFFFF  }
0x50: {  	p0 =	sne.s32 s1, $0x0;
	_ =	strace $0x90000047  }
0x51: {  	s0 =	sadd.s32 @!p0 $0x100000, s0;
	[bflag:$0x2] =	sbarrier.arrive $0xFFFF  }
0x52: {  	[sflag:s0] =	ssyncadd.tile.s32 @!p0 $0x1;
	_ =	shalt  }
.Lfunc_end2:
_tile_overlayer_lowered:
.L_overlay_start_2:
0x53: {  	(tag) =	ssettag $0x2  }
0x54: {  	s0 =	rddreg [dreg:$0x0];
	s2 =	stileid.u32  }
0x55: {  	s1 =	rddreg [dreg:$0x1];
	p0 =	sne.s32 s2, $0x0  }
0x56: {  	s3 =	rddreg [dreg:$0x2];
	[bflag:$0x3] =	sbarrier.arrive $0xFFFF;
	s2 =	simm.s32 @!p0 $0x1C04  }
0x57: {  	[timem:s3], [sflag:s2] =	dma.local @!p0 [hbm:s0], s1  }
0x58: {  	s0 =	simm.s32 @!p0 $0x4  }
0x59: {  	_ =	swait.ge @!p0 [sflag:s0], s1  }
0x5a: {  	s1 =	ssub.s32 @!p0 $0x0, s1;
	[sflag:s0] =	ssyncset.done @!p0 $0x0  }
0x5b: {  	[sflag:s0] =	ssyncadd.s32 @!p0 s1  }
0x5c: {  	[bflag:$0x3] =	sbarrier.arrive $0xFFFF  }
0x5d: {  	_ =	shalt  }

</sc_bundles>
